<compile_context>
chip_gen: v7x
topology: tpu7x:2x2x1
jax: 0.10.2.dev20260603
libtpu: 0.0.44.dev20260713+nightly
codegen_flags: <defaults>
</compile_context>

<pallas_src>
import functools

import jax
import jax.numpy as jnp
from jax import lax
from jax.experimental import pallas as pl
from jax.experimental.pallas import tpu as pltpu
from jax.experimental.pallas import tpu_sc as plsc

N = 10000
NP = 10240
E = 160000
D = 256
H = 128
NC_OUT = 12
ROWS_PER_TILE = NP // 16
CHUNK = 128
NSTAGE = 4
SCH = 20
EDGES_PER_TILE = NSTAGE * SCH * CHUNK
EP = 16 * EDGES_PER_TILE
BLK = 1024

_SC_PARAMS = pltpu.CompilerParams(needs_layout_passes=False,
                                  internal_scratch_in_bytes=8192)


def _mesh():
    return plsc.VectorSubcoreMesh(core_axis_name="c", subcore_axis_name="s")



def _hist_reduce(s, hist_v, slots_sh, red_v, acc_v, out_row):
    pltpu.sync_copy(hist_v, slots_sh.at[s])
    plsc.subcore_barrier()
    pltpu.sync_copy(slots_sh.at[:, pl.ds(s * ROWS_PER_TILE, ROWS_PER_TILE)],
                    red_v)

    @pl.loop(0, ROWS_PER_TILE // 16)
    def _(j):
        v = red_v[0, pl.ds(j * 16, 16)]
        for r in range(1, 16):
            v = v + red_v[r, pl.ds(j * 16, 16)]
        acc_v[pl.ds(j * 16, 16)] = v

    pltpu.sync_copy(acc_v, out_row.at[pl.ds(s * ROWS_PER_TILE, ROWS_PER_TILE)])


def _zero_1d(ref, n):
    zeros = jnp.zeros((16,), jnp.float32)

    @pl.loop(0, n // 16)
    def _(i):
        ref[pl.ds(i * 16, 16)] = zeros


def _degree_body(idx_hbm, degs_hbm, idx_v, hist_v, slots_sh, red_v, acc_v):
    c = lax.axis_index("c")
    s = lax.axis_index("s")
    pltpu.sync_copy(idx_hbm.at[c, s], idx_v)
    _zero_1d(hist_v, NP)
    ones = jnp.ones((16,), jnp.float32)

    @pl.loop(0, EDGES_PER_TILE // 16)
    def _(i):
        ii = idx_v[pl.ds(i * 16, 16)]
        plsc.addupdate_scatter(hist_v, [ii], ones)

    _hist_reduce(s, hist_v, slots_sh, red_v, acc_v, degs_hbm.at[c])


@jax.jit
def _degree_call(idx_a):
    return pl.kernel(
        _degree_body,
        out_type=jax.ShapeDtypeStruct((2, NP), jnp.float32),
        mesh=_mesh(),
        compiler_params=_SC_PARAMS,
        scratch_types=[
            pltpu.VMEM((EDGES_PER_TILE,), jnp.int32),
            pltpu.VMEM((NP,), jnp.float32),
            pltpu.VMEM_SHARED((16, NP), jnp.float32),
            pltpu.VMEM((16, ROWS_PER_TILE), jnp.float32),
            pltpu.VMEM((ROWS_PER_TILE,), jnp.float32),
        ],
    )(idx_a)


def _pairseg_body(z_hbm, idx_hbm, out_hbm,
                  z_v, sidx_v, didx_v, hist_v, slots_sh, red_v, acc_v):
    c = lax.axis_index("c")
    s = lax.axis_index("s")
    pltpu.sync_copy(z_hbm.at[c], z_v)
    pltpu.sync_copy(idx_hbm.at[0, s], sidx_v)
    pltpu.sync_copy(idx_hbm.at[1, s], didx_v)
    _zero_1d(hist_v, NP)

    @pl.loop(0, EDGES_PER_TILE // 16)
    def _(i):
        sv = sidx_v[pl.ds(i * 16, 16)]
        dv = didx_v[pl.ds(i * 16, 16)]
        val = plsc.load_gather(z_v, [sv])
        plsc.addupdate_scatter(hist_v, [dv], val)

    _hist_reduce(s, hist_v, slots_sh, red_v, acc_v, out_hbm.at[c])


@jax.jit
def _pairseg_call(z, idx_a):
    return pl.kernel(
        _pairseg_body,
        out_type=jax.ShapeDtypeStruct((2, NP), jnp.float32),
        mesh=_mesh(),
        compiler_params=_SC_PARAMS,
        scratch_types=[
            pltpu.VMEM((NP,), jnp.float32),
            pltpu.VMEM((EDGES_PER_TILE,), jnp.int32),
            pltpu.VMEM((EDGES_PER_TILE,), jnp.int32),
            pltpu.VMEM((NP,), jnp.float32),
            pltpu.VMEM_SHARED((16, NP), jnp.float32),
            pltpu.VMEM((16, ROWS_PER_TILE), jnp.float32),
            pltpu.VMEM((ROWS_PER_TILE,), jnp.float32),
        ],
    )(z, idx_a)


def _segsum_body(x_hbm, src_hbm, dst_hbm, agg_hbm,
                 sidx_v, didx_v, buf_v, acc_sh,
                 gsem0, gsem1, ssem0, ssem1, isem0, isem1):
    c = lax.axis_index("c")
    s = lax.axis_index("s")
    zeros = jnp.zeros((16,), jnp.float32)

    @pl.loop(0, CHUNK)
    def _(i):
        for k in range(H // 16):
            buf_v[0, i, pl.ds(k * 16, 16)] = zeros

    @pl.loop(0, ROWS_PER_TILE // CHUNK)
    def _(k):
        pltpu.async_copy(
            buf_v.at[0], acc_sh.at[pl.ds(s * ROWS_PER_TILE + k * CHUNK, CHUNK)],
            ssem0)

    pltpu.async_copy(src_hbm.at[s * NSTAGE], sidx_v.at[0], isem0)
    pltpu.async_copy(dst_hbm.at[s * NSTAGE], didx_v.at[0], isem1)

    @pl.loop(0, ROWS_PER_TILE // CHUNK)
    def _(k):
        pltpu.make_async_copy(
            buf_v.at[0], acc_sh.at[pl.ds(s * ROWS_PER_TILE + k * CHUNK, CHUNK)],
            ssem0).wait()

    plsc.subcore_barrier()

    xh = x_hbm.at[c]

    for st in range(NSTAGE):
        sl = st % 2
        sidx = sidx_v.at[sl]
        didx = didx_v.at[sl]
        pltpu.make_async_copy(src_hbm.at[s * NSTAGE + st], sidx, isem0).wait()
        pltpu.make_async_copy(dst_hbm.at[s * NSTAGE + st], didx, isem1).wait()
        if st + 1 < NSTAGE:
            pltpu.async_copy(src_hbm.at[s * NSTAGE + st + 1],
                             sidx_v.at[1 - sl], isem0)
            pltpu.async_copy(dst_hbm.at[s * NSTAGE + st + 1],
                             didx_v.at[1 - sl], isem1)
        pltpu.async_copy(xh.at[sidx.at[0]], buf_v.at[0], gsem0)
        pltpu.async_copy(xh.at[sidx.at[1]], buf_v.at[1], gsem1)

        def _phase(j, b, gsem, ssem, sidx=sidx, didx=didx):
            pltpu.make_async_copy(xh.at[sidx.at[j]], buf_v.at[b], gsem).wait()
            pltpu.async_copy(buf_v.at[b], acc_sh.at[didx.at[j]], ssem,
                             add=True)
            pltpu.make_async_copy(buf_v.at[b], acc_sh.at[didx.at[j]],
                                  ssem).wait()

            @pl.when(j + 2 < SCH)
            def _():
                pltpu.async_copy(xh.at[sidx.at[j + 2]], buf_v.at[b], gsem)

        @pl.loop(0, SCH // 2)
        def _(jj):
            _phase(jj * 2, 0, gsem0, ssem0)
            _phase(jj * 2 + 1, 1, gsem1, ssem1)

    plsc.subcore_barrier()
    pltpu.sync_copy(
        acc_sh.at[pl.ds(s * ROWS_PER_TILE, ROWS_PER_TILE)],
        agg_hbm.at[c].at[pl.ds(s * ROWS_PER_TILE, ROWS_PER_TILE)])


@jax.jit
def _segsum_call(x_st, src_b, dst_b):
    return pl.kernel(
        _segsum_body,
        out_type=jax.ShapeDtypeStruct((2, NP, H), jnp.float32),
        mesh=_mesh(),
        compiler_params=_SC_PARAMS,
        scratch_types=[
            pltpu.VMEM((2, SCH, CHUNK), jnp.int32),
            pltpu.VMEM((2, SCH, CHUNK), jnp.int32),
            pltpu.VMEM((2, CHUNK, H), jnp.float32),
            pltpu.VMEM_SHARED((NP, H), jnp.float32),
            pltpu.SemaphoreType.DMA,
            pltpu.SemaphoreType.DMA,
            pltpu.SemaphoreType.DMA,
            pltpu.SemaphoreType.DMA,
            pltpu.SemaphoreType.DMA,
            pltpu.SemaphoreType.DMA,
        ],
    )(x_st, src_b, dst_b)



def _prep_body(dout_ref, din_ref, feats_ref, z_ref, nsrc_ref, ndst_ref):
    i = pl.program_id(0)
    ns = lax.rsqrt(jnp.maximum(dout_ref[...], 1.0))
    nd = lax.rsqrt(jnp.maximum(din_ref[...], 1.0))
    rows = i * BLK + lax.broadcasted_iota(jnp.int32, (BLK, 1), 0)
    valid = rows < N
    z_ref[0] = jnp.where(valid, feats_ref[...] * ns, 0.0)
    z_ref[1] = jnp.where(valid, ns, 0.0)
    nsrc_ref[...] = jnp.where(valid, ns, 0.0)
    ndst_ref[...] = jnp.where(valid, nd, 0.0)


@jax.jit
def _prep_call(dout, din, feats_p):
    return pl.pallas_call(
        _prep_body,
        grid=(NP // BLK,),
        in_specs=[
            pl.BlockSpec((BLK, 1), lambda i: (i, 0)),
            pl.BlockSpec((BLK, 1), lambda i: (i, 0)),
            pl.BlockSpec((BLK, 1), lambda i: (i, 0)),
        ],
        out_specs=[
            pl.BlockSpec((2, BLK, 1), lambda i: (0, i, 0)),
            pl.BlockSpec((BLK, 1), lambda i: (i, 0)),
            pl.BlockSpec((BLK, 1), lambda i: (i, 0)),
        ],
        out_shape=[
            jax.ShapeDtypeStruct((2, NP, 1), jnp.float32),
            jax.ShapeDtypeStruct((NP, 1), jnp.float32),
            jax.ShapeDtypeStruct((NP, 1), jnp.float32),
        ],
    )(dout, din, feats_p)


def _dense_tail(last, i, a, w_ref, b_ref, g_ref, beta_ref, nsrc_ref, out_ref):
    t = jnp.dot(a.astype(jnp.bfloat16), w_ref[...].astype(jnp.bfloat16),
                preferred_element_type=jnp.float32)
    t = t + b_ref[0, :][None, :]
    mu = jnp.mean(t, axis=-1, keepdims=True)
    var = jnp.mean((t - mu) ** 2, axis=-1, keepdims=True)
    y = (t - mu) * lax.rsqrt(var + 1e-5) * g_ref[0, :][None, :] \
        + beta_ref[0, :][None, :]
    h = jnp.maximum(y, 0.0)
    rows = i * BLK + lax.broadcasted_iota(jnp.int32, (BLK, 1), 0)
    h = jnp.where(rows < N, h, 0.0)
    if last:
        out_ref[...] = h
    else:
        x = h * nsrc_ref[...]
        out_ref[0] = x[:, :H]
        out_ref[1] = x[:, H:]


def _layer1_body(a1_ref, a2_ref, ndst_ref, nsrc_ref, wseq_ref, bseq_ref,
                 w_ref, b_ref, g_ref, beta_ref, out_ref):
    i = pl.program_id(0)
    agg = a1_ref[...] * wseq_ref[0, :][None, :] \
        + a2_ref[...] * bseq_ref[0, :][None, :]
    a = agg * ndst_ref[...]
    _dense_tail(False, i, a, w_ref, b_ref, g_ref, beta_ref, nsrc_ref, out_ref)


@jax.jit
def _layer1_call(a1, a2, ndst, nsrc, wseq, bseq, w, b, g, beta):
    return pl.pallas_call(
        _layer1_body,
        grid=(NP // BLK,),
        in_specs=[
            pl.BlockSpec((BLK, 1), lambda i: (i, 0)),
            pl.BlockSpec((BLK, 1), lambda i: (i, 0)),
            pl.BlockSpec((BLK, 1), lambda i: (i, 0)),
            pl.BlockSpec((BLK, 1), lambda i: (i, 0)),
            pl.BlockSpec((1, D), lambda i: (0, 0)),
            pl.BlockSpec((1, D), lambda i: (0, 0)),
            pl.BlockSpec((D, D), lambda i: (0, 0)),
            pl.BlockSpec((1, D), lambda i: (0, 0)),
            pl.BlockSpec((1, D), lambda i: (0, 0)),
            pl.BlockSpec((1, D), lambda i: (0, 0)),
        ],
        out_specs=pl.BlockSpec((2, BLK, H), lambda i: (0, i, 0)),
        out_shape=jax.ShapeDtypeStruct((2, NP, H), jnp.float32),
    )(a1, a2, ndst, nsrc, wseq, bseq, w, b, g, beta)


def _layer_body(last, agg_ref, ndst_ref, nsrc_ref, w_ref, b_ref, g_ref,
                beta_ref, out_ref):
    i = pl.program_id(0)
    a = jnp.concatenate([agg_ref[0], agg_ref[1]], axis=-1)
    a = a * ndst_ref[...]
    _dense_tail(last, i, a, w_ref, b_ref, g_ref, beta_ref, nsrc_ref, out_ref)


@functools.partial(jax.jit, static_argnums=0)
def _layer_call(last, agg, ndst, nsrc, w, b, g, beta):
    if last:
        out_spec = pl.BlockSpec((BLK, D), lambda i: (i, 0))
        out_shape = jax.ShapeDtypeStruct((NP, D), jnp.float32)
    else:
        out_spec = pl.BlockSpec((2, BLK, H), lambda i: (0, i, 0))
        out_shape = jax.ShapeDtypeStruct((2, NP, H), jnp.float32)
    return pl.pallas_call(
        functools.partial(_layer_body, last),
        grid=(NP // BLK,),
        in_specs=[
            pl.BlockSpec((2, BLK, H), lambda i: (0, i, 0)),
            pl.BlockSpec((BLK, 1), lambda i: (i, 0)),
            pl.BlockSpec((BLK, 1), lambda i: (i, 0)),
            pl.BlockSpec((D, D), lambda i: (0, 0)),
            pl.BlockSpec((1, D), lambda i: (0, 0)),
            pl.BlockSpec((1, D), lambda i: (0, 0)),
            pl.BlockSpec((1, D), lambda i: (0, 0)),
        ],
        out_specs=out_spec,
        out_shape=out_shape,
    )(agg, ndst, nsrc, w, b, g, beta)


def _cls_body(x_ref, w_ref, b_ref, out_ref):
    k = pl.program_id(0)

    @pl.when(k == 0)
    def _():
        out_ref[...] = jnp.broadcast_to(b_ref[0, :][None, :], out_ref.shape)

    out_ref[...] += jnp.dot(x_ref[...], w_ref[...],
                            preferred_element_type=jnp.float32)


@jax.jit
def _cls_call(hr, w_cls, b_cls):
    kblk = D * 100 // 10
    return pl.pallas_call(
        _cls_body,
        grid=(10,),
        in_specs=[
            pl.BlockSpec((100, kblk), lambda k: (0, k)),
            pl.BlockSpec((kblk, NC_OUT), lambda k: (k, 0)),
            pl.BlockSpec((1, NC_OUT), lambda k: (0, 0)),
        ],
        out_specs=pl.BlockSpec((100, NC_OUT), lambda k: (0, 0)),
        out_shape=jax.ShapeDtypeStruct((100, NC_OUT), jnp.float32),
    )(hr, w_cls, b_cls)



def kernel(flow_feature, feats, edge_index, W_seq, b_seq,
           Wg0, bg0, g0, beta0, Wg1, bg1, g1, beta1, Wg2, bg2, g2, beta2,
           W_cls, b_cls):
    del flow_feature
    ei = jnp.concatenate(
        [edge_index, jnp.full((2, EP - E), N, jnp.int32)], axis=1)
    idx_a = ei.reshape(2, 16, EDGES_PER_TILE)
    src_b = ei[0].reshape(16 * NSTAGE, SCH, CHUNK)
    dst_b = ei[1].reshape(16 * NSTAGE, SCH, CHUNK)

    degs = _degree_call(idx_a)
    feats_p = jnp.pad(feats, (0, NP - N)).reshape(NP, 1)
    z, nsrc, ndst = _prep_call(degs[0].reshape(NP, 1), degs[1].reshape(NP, 1),
                               feats_p)
    a12 = _pairseg_call(z.reshape(2, NP), idx_a)

    x_st = _layer1_call(a12[0].reshape(NP, 1), a12[1].reshape(NP, 1),
                        ndst, nsrc, W_seq, b_seq.reshape(1, D),
                        Wg0, bg0.reshape(1, D), g0.reshape(1, D),
                        beta0.reshape(1, D))

    h = None
    for l, (w, b, g, beta) in enumerate(
            [(Wg1, bg1, g1, beta1), (Wg2, bg2, g2, beta2)]):
        agg = _segsum_call(x_st, src_b, dst_b)
        res = _layer_call(l == 1, agg, ndst, nsrc, w, b.reshape(1, D),
                          g.reshape(1, D), beta.reshape(1, D))
        if l == 1:
            h = res
        else:
            x_st = res

    hr = h[:N].reshape(N // 100, D * 100)
    return _cls_call(hr, W_cls, b_cls.reshape(1, NC_OUT))

# --- scband reference (transcript-rebuilt; emitter-appended) ---
"""Pipeline reference for scband-gnn-family-76261439308039 (READ-ONLY COPY).

The authoritative reference and input builder live on the scoring server;
editing this copy changes nothing except your own understanding.
"""

import jax, jax.numpy as jnp
import numpy as np

N = 10000
E = 160000
RANK = 256
ORDER = 3
MFL = 100
NC = 12


def setup_inputs(seed: int = 0) -> dict:
    key = jax.random.key(seed)
    ks = jax.random.split(key, 24)
    inp = {}
    inp['flow_feature'] = jax.random.normal(ks[0], (N // MFL, 39), dtype=jnp.float32)
    inp['feats'] = jax.random.normal(ks[1], (N,), dtype=jnp.float32)
    inp['edge_index'] = jax.random.randint(ks[2], (2, E), 0, N, dtype=jnp.int32)
    inp['W_seq'] = jax.random.normal(ks[3], (1, RANK), dtype=jnp.float32)
    inp['b_seq'] = jnp.zeros((RANK,), dtype=jnp.float32)
    for i in range(ORDER):
        inp['Wg%d' % i] = jax.random.normal(ks[4 + i], (RANK, RANK), dtype=jnp.float32) / np.sqrt(RANK)
        inp['bg%d' % i] = jnp.zeros((RANK,), dtype=jnp.float32)
        inp['g%d' % i] = jnp.ones((RANK,), dtype=jnp.float32)
        inp['beta%d' % i] = jnp.zeros((RANK,), dtype=jnp.float32)
    inp['W_cls'] = jax.random.normal(ks[10], (RANK * MFL, NC), dtype=jnp.float32) / np.sqrt(RANK * MFL)
    inp['b_cls'] = jnp.zeros((NC,), dtype=jnp.float32)
    return inp


def _layer_norm(x, g, b):
    mu = jnp.mean(x, axis=-1, keepdims=True)
    var = jnp.mean((x - mu) ** 2, axis=-1, keepdims=True)
    return (x - mu) * jax.lax.rsqrt(var + 1e-5) * g + b


def _forward(flow_feature, feats, edge_index, W_seq, b_seq, gcn_params, W_cls, b_cls):
    # stat=False branch of GnnFamily.forward; dropout is identity in eval mode
    src = edge_index[0]
    dst = edge_index[1]
    ones = jnp.ones((src.shape[0],), dtype=jnp.float32)
    deg_out = jax.ops.segment_sum(ones, src, num_segments=N)
    deg_in = jax.ops.segment_sum(ones, dst, num_segments=N)
    norm_src = jax.lax.rsqrt(jnp.clip(deg_out, 1.0))[:, None]
    norm_dst = jax.lax.rsqrt(jnp.clip(deg_in, 1.0))[:, None]
    # seq_encoder: Linear(1, rank) on scalar node features
    h = feats.reshape(-1, 1) @ W_seq + b_seq
    # DGL GraphConv with norm='both': h*D_out^{-1/2} -> sum-aggregate -> *D_in^{-1/2} -> W,b
    for (W, b, g, beta) in gcn_params:
        x = h * norm_src
        agg = jax.ops.segment_sum(x[src], dst, num_segments=N)
        agg = agg * norm_dst
        h = agg @ W + b
        h = _layer_norm(h, g, beta)
        h = jax.nn.relu(h)
    h = h.reshape(N // MFL, RANK * MFL)
    return h @ W_cls + b_cls


def reference(flow_feature, feats, edge_index, W_seq, b_seq, Wg0, bg0, g0, beta0, Wg1, bg1, g1, beta1, Wg2, bg2, g2, beta2, W_cls, b_cls):
    gcn_params = [(Wg0, bg0, g0, beta0), (Wg1, bg1, g1, beta1), (Wg2, bg2, g2, beta2)]
    return _forward(flow_feature, feats, edge_index, W_seq, b_seq, gcn_params, W_cls, b_cls)

if __name__ == "__main__":
    import jax
    _d = setup_inputs()
    print(jax.jit(kernel)(*tuple(_d.values())))

</pallas_src>

<mosaic_0001>
#map = affine_map<(d0, d1) -> (0, 0, 0)>
#map1 = affine_map<(d0, d1) -> (0, 0)>
module attributes {stable_mosaic.version = 14 : i64} {
  func.func @_degree_body(%arg0: i32, %arg1: i32, %arg2: memref<2x16x10240xi32, #tpu.memory_space<hbm>>, %arg3: memref<2x10240xf32, #tpu.memory_space<hbm>>, %arg4: memref<10240xi32, #tpu.memory_space<vmem>>, %arg5: memref<10240xf32, #tpu.memory_space<vmem>>, %arg6: memref<16x10240xf32, #tpu.memory_space<vmem_shared>>, %arg7: memref<16x640xf32, #tpu.memory_space<vmem>>, %arg8: memref<640xf32, #tpu.memory_space<vmem>>) attributes {dimension_semantics = [#tpu.dimension_semantics<core_parallel>, #tpu.dimension_semantics<subcore_parallel>], iteration_bounds = array<i64: 2, 16>, scalar_prefetch = 0 : i64, scratch_operands = 5 : i64, tpu.core_type = #tpu.core_type<sc_vector_subcore>, window_params = [{transform_indices = #map}, {transform_indices = #map1}]} {
    "tpu.region"() ({
      %run_scoped3A = tpu.sem_alloc : memref<!tpu.dma_semaphore, #tpu.memory_space<semaphore_mem>>
      %dma_start3A = arith.constant 0 : i32
      %dma_start3A_20 = tpu.memref_slice %arg2[%arg0, %arg1, %dma_start3A] : memref<2x16x10240xi32, #tpu.memory_space<hbm>> -> memref<1x1x10240xi32, #tpu.memory_space<hbm>>
      %dma_start3A_21 = tpu.memref_squeeze %dma_start3A_20 : memref<1x1x10240xi32, #tpu.memory_space<hbm>> -> memref<10240xi32, #tpu.memory_space<hbm>>
      %dma_start3A_22 = arith.constant 0 : i32
      %dma_start3A_23 = tpu.memref_slice %arg2[%arg0, %arg1, %dma_start3A_22] : memref<2x16x10240xi32, #tpu.memory_space<hbm>> -> memref<1x1x10240xi32, #tpu.memory_space<hbm>>
      %dma_start3A_24 = tpu.memref_squeeze %dma_start3A_23 : memref<1x1x10240xi32, #tpu.memory_space<hbm>> -> memref<10240xi32, #tpu.memory_space<hbm>>
      tpu.enqueue_dma source(%dma_start3A_24 : memref<10240xi32, #tpu.memory_space<hbm>>) target(%arg4 : memref<10240xi32, #tpu.memory_space<vmem>>) target_semaphore(%run_scoped3A : memref<!tpu.dma_semaphore, #tpu.memory_space<semaphore_mem>>)
      %dma_wait3A = arith.constant 0 : i32
      %dma_wait3A_25 = tpu.memref_slice %arg2[%arg0, %arg1, %dma_wait3A] : memref<2x16x10240xi32, #tpu.memory_space<hbm>> -> memref<1x1x10240xi32, #tpu.memory_space<hbm>>
      %dma_wait3A_26 = tpu.memref_squeeze %dma_wait3A_25 : memref<1x1x10240xi32, #tpu.memory_space<hbm>> -> memref<10240xi32, #tpu.memory_space<hbm>>
      %dma_wait3A_27 = arith.constant 0 : i32
      %dma_wait3A_28 = tpu.memref_slice %arg2[%arg0, %arg1, %dma_wait3A_27] : memref<2x16x10240xi32, #tpu.memory_space<hbm>> -> memref<1x1x10240xi32, #tpu.memory_space<hbm>>
      %dma_wait3A_29 = tpu.memref_squeeze %dma_wait3A_28 : memref<1x1x10240xi32, #tpu.memory_space<hbm>> -> memref<10240xi32, #tpu.memory_space<hbm>>
      tpu.wait_dma2 semaphore(%run_scoped3A : memref<!tpu.dma_semaphore, #tpu.memory_space<semaphore_mem>>) src(%dma_wait3A_29 : memref<10240xi32, #tpu.memory_space<hbm>>) dst(%arg4 : memref<10240xi32, #tpu.memory_space<vmem>>)
      tpu.yield
    }) : () -> ()
    %broadcast_in_dim3A = arith.constant 0.000000e+00 : f32
    %broadcast_in_dim3A_0 = vector.broadcast %broadcast_in_dim3A : f32 to vector<16xf32>
    %scan3A = arith.constant 0 : i32
    %scan3A_1 = arith.constant 640 : i32
    %scan3A_2 = arith.addi %scan3A, %scan3A_1 : i32
    %scan3A_3 = arith.constant 1 : i32
    scf.for %scan3A_20 = %scan3A to %scan3A_2 step %scan3A_3  : i32 {
      %mul3A_21 = arith.constant 1 : i32
      %mul3A_22 = arith.muli %scan3A_20, %mul3A_21 : i32
      %add3A = arith.constant 0 : i32
      %add3A_23 = arith.addi %add3A, %mul3A_22 : i32
      %mul3A_24 = arith.constant 16 : i32
      %mul3A_25 = arith.muli %add3A_23, %mul3A_24 : i32
      %swap3A = arith.index_cast %mul3A_25 : i32 to index
      %swap3A_26 = tpu.vector_load %arg5[%swap3A] {strides = array<i32>} : memref<10240xf32, #tpu.memory_space<vmem>>, vector<16xf32>,
      tpu.vector_store %arg5[%swap3A], %broadcast_in_dim3A_0 {strides = array<i32>} : memref<10240xf32, #tpu.memory_space<vmem>>, vector<16xf32>,
    }
    %scan3A_4 = arith.constant 640 : i32
    %broadcast_in_dim3A_5 = arith.constant 1.000000e+00 : f32
    %broadcast_in_dim3A_6 = vector.broadcast %broadcast_in_dim3A_5 : f32 to vector<16xf32>
    %scan3A_7 = arith.constant 0 : i32
    %scan3A_8 = arith.constant 640 : i32
    %scan3A_9 = arith.addi %scan3A_7, %scan3A_8 : i32
    %scan3A_10 = arith.constant 1 : i32
    scf.for %scan3A_20 = %scan3A_7 to %scan3A_9 step %scan3A_10  : i32 {
      %mul3A_21 = arith.constant 1 : i32
      %mul3A_22 = arith.muli %scan3A_20, %mul3A_21 : i32
      %add3A = arith.constant 0 : i32
      %add3A_23 = arith.addi %add3A, %mul3A_22 : i32
      %mul3A_24 = arith.constant 16 : i32
      %mul3A_25 = arith.muli %add3A_23, %mul3A_24 : i32
      %get3A = arith.index_cast %mul3A_25 : i32 to index
      %get3A_26 = tpu.vector_load %arg4[%get3A] {strides = array<i32>} : memref<10240xi32, #tpu.memory_space<vmem>>, vector<16xi32>,
      tpu.vector_store_idx %arg5[%get3A_26], %broadcast_in_dim3A_6 {add = true} : memref<10240xf32, #tpu.memory_space<vmem>>[vector<16xi32>], vector<16xf32>,
    }
    %scan3A_11 = arith.constant 640 : i32
    "tpu.region"() ({
      %run_scoped3A = tpu.sem_alloc : memref<!tpu.dma_semaphore, #tpu.memory_space<semaphore_mem>>
      %dma_start3A = arith.constant 0 : i32
      %dma_start3A_20 = tpu.memref_slice %arg6[%arg1, %dma_start3A] : memref<16x10240xf32, #tpu.memory_space<vmem_shared>> -> memref<1x10240xf32, #tpu.memory_space<vmem_shared>>
      %dma_start3A_21 = tpu.memref_squeeze %dma_start3A_20 : memref<1x10240xf32, #tpu.memory_space<vmem_shared>> -> memref<10240xf32, #tpu.memory_space<vmem_shared>>
      %dma_start3A_22 = arith.constant 0 : i32
      %dma_start3A_23 = tpu.memref_slice %arg6[%arg1, %dma_start3A_22] : memref<16x10240xf32, #tpu.memory_space<vmem_shared>> -> memref<1x10240xf32, #tpu.memory_space<vmem_shared>>
      %dma_start3A_24 = tpu.memref_squeeze %dma_start3A_23 : memref<1x10240xf32, #tpu.memory_space<vmem_shared>> -> memref<10240xf32, #tpu.memory_space<vmem_shared>>
      tpu.enqueue_dma source(%arg5 : memref<10240xf32, #tpu.memory_space<vmem>>) target(%dma_start3A_24 : memref<10240xf32, #tpu.memory_space<vmem_shared>>) target_semaphore(%run_scoped3A : memref<!tpu.dma_semaphore, #tpu.memory_space<semaphore_mem>>)
      %dma_wait3A = arith.constant 0 : i32
      %dma_wait3A_25 = tpu.memref_slice %arg6[%arg1, %dma_wait3A] : memref<16x10240xf32, #tpu.memory_space<vmem_shared>> -> memref<1x10240xf32, #tpu.memory_space<vmem_shared>>
      %dma_wait3A_26 = tpu.memref_squeeze %dma_wait3A_25 : memref<1x10240xf32, #tpu.memory_space<vmem_shared>> -> memref<10240xf32, #tpu.memory_space<vmem_shared>>
      %dma_wait3A_27 = arith.constant 0 : i32
      %dma_wait3A_28 = tpu.memref_slice %arg6[%arg1, %dma_wait3A_27] : memref<16x10240xf32, #tpu.memory_space<vmem_shared>> -> memref<1x10240xf32, #tpu.memory_space<vmem_shared>>
      %dma_wait3A_29 = tpu.memref_squeeze %dma_wait3A_28 : memref<1x10240xf32, #tpu.memory_space<vmem_shared>> -> memref<10240xf32, #tpu.memory_space<vmem_shared>>
      tpu.wait_dma2 semaphore(%run_scoped3A : memref<!tpu.dma_semaphore, #tpu.memory_space<semaphore_mem>>) src(%arg5 : memref<10240xf32, #tpu.memory_space<vmem>>) dst(%dma_wait3A_29 : memref<10240xf32, #tpu.memory_space<vmem_shared>>)
      tpu.yield
    }) : () -> ()
    %barrier3A = arith.constant 0 : index
    tpu.barrier barrier_id(%barrier3A)
    %mul3A = arith.constant 640 : i32
    %mul3A_12 = arith.muli %arg1, %mul3A : i32
    "tpu.region"() ({
      %run_scoped3A = tpu.sem_alloc : memref<!tpu.dma_semaphore, #tpu.memory_space<semaphore_mem>>
      %dma_start3A = arith.constant 0 : i32
      %dma_start3A_20 = tpu.memref_slice %arg6[%dma_start3A, %mul3A_12] : memref<16x10240xf32, #tpu.memory_space<vmem_shared>> -> memref<16x640xf32, #tpu.memory_space<vmem_shared>>
      %dma_start3A_21 = arith.constant 0 : i32
      %dma_start3A_22 = tpu.memref_slice %arg6[%dma_start3A_21, %mul3A_12] : memref<16x10240xf32, #tpu.memory_space<vmem_shared>> -> memref<16x640xf32, #tpu.memory_space<vmem_shared>>
      tpu.enqueue_dma source(%dma_start3A_22 : memref<16x640xf32, #tpu.memory_space<vmem_shared>>) target(%arg7 : memref<16x640xf32, #tpu.memory_space<vmem>>) target_semaphore(%run_scoped3A : memref<!tpu.dma_semaphore, #tpu.memory_space<semaphore_mem>>)
      %dma_wait3A = arith.constant 0 : i32
      %dma_wait3A_23 = tpu.memref_slice %arg6[%dma_wait3A, %mul3A_12] : memref<16x10240xf32, #tpu.memory_space<vmem_shared>> -> memref<16x640xf32, #tpu.memory_space<vmem_shared>>
      %dma_wait3A_24 = arith.constant 0 : i32
      %dma_wait3A_25 = tpu.memref_slice %arg6[%dma_wait3A_24, %mul3A_12] : memref<16x10240xf32, #tpu.memory_space<vmem_shared>> -> memref<16x640xf32, #tpu.memory_space<vmem_shared>>
      tpu.wait_dma2 semaphore(%run_scoped3A : memref<!tpu.dma_semaphore, #tpu.memory_space<semaphore_mem>>) src(%dma_wait3A_25 : memref<16x640xf32, #tpu.memory_space<vmem_shared>>) dst(%arg7 : memref<16x640xf32, #tpu.memory_space<vmem>>)
      tpu.yield
    }) : () -> ()
    %scan3A_13 = arith.constant 0 : i32
    %scan3A_14 = arith.constant 40 : i32
    %scan3A_15 = arith.addi %scan3A_13, %scan3A_14 : i32
    %scan3A_16 = arith.constant 1 : i32
    scf.for %scan3A_20 = %scan3A_13 to %scan3A_15 step %scan3A_16  : i32 {
      %mul3A_21 = arith.constant 1 : i32
      %mul3A_22 = arith.muli %scan3A_20, %mul3A_21 : i32
      %add3A = arith.constant 0 : i32
      %add3A_23 = arith.addi %add3A, %mul3A_22 : i32
      %mul3A_24 = arith.constant 16 : i32
      %mul3A_25 = arith.muli %add3A_23, %mul3A_24 : i32
      %get3A = arith.constant 0 : i32
      %get3A_26 = arith.index_cast %get3A : i32 to index
      %get3A_27 = arith.index_cast %mul3A_25 : i32 to index
      %get3A_28 = tpu.vector_load %arg7[%get3A_26, %get3A_27] {strides = array<i32>} : memref<16x640xf32, #tpu.memory_space<vmem>>, vector<16xf32>,
      %mul3A_29 = arith.constant 16 : i32
      %mul3A_30 = arith.muli %add3A_23, %mul3A_29 : i32
      %get3A_31 = arith.constant 1 : i32
      %get3A_32 = arith.index_cast %get3A_31 : i32 to index
      %get3A_33 = arith.index_cast %mul3A_30 : i32 to index
      %get3A_34 = tpu.vector_load %arg7[%get3A_32, %get3A_33] {strides = array<i32>} : memref<16x640xf32, #tpu.memory_space<vmem>>, vector<16xf32>,
      %add3A_35 = arith.addf %get3A_28, %get3A_34 : vector<16xf32>
      %mul3A_36 = arith.constant 16 : i32
      %mul3A_37 = arith.muli %add3A_23, %mul3A_36 : i32
      %get3A_38 = arith.constant 2 : i32
      %get3A_39 = arith.index_cast %get3A_38 : i32 to index
      %get3A_40 = arith.index_cast %mul3A_37 : i32 to index
      %get3A_41 = tpu.vector_load %arg7[%get3A_39, %get3A_40] {strides = array<i32>} : memref<16x640xf32, #tpu.memory_space<vmem>>, vector<16xf32>,
      %add3A_42 = arith.addf %add3A_35, %get3A_41 : vector<16xf32>
      %mul3A_43 = arith.constant 16 : i32
      %mul3A_44 = arith.muli %add3A_23, %mul3A_43 : i32
      %get3A_45 = arith.constant 3 : i32
      %get3A_46 = arith.index_cast %get3A_45 : i32 to index
      %get3A_47 = arith.index_cast %mul3A_44 : i32 to index
      %get3A_48 = tpu.vector_load %arg7[%get3A_46, %get3A_47] {strides = array<i32>} : memref<16x640xf32, #tpu.memory_space<vmem>>, vector<16xf32>,
      %add3A_49 = arith.addf %add3A_42, %get3A_48 : vector<16xf32>
      %mul3A_50 = arith.constant 16 : i32
      %mul3A_51 = arith.muli %add3A_23, %mul3A_50 : i32
      %get3A_52 = arith.constant 4 : i32
      %get3A_53 = arith.index_cast %get3A_52 : i32 to index
      %get3A_54 = arith.index_cast %mul3A_51 : i32 to index
      %get3A_55 = tpu.vector_load %arg7[%get3A_53, %get3A_54] {strides = array<i32>} : memref<16x640xf32, #tpu.memory_space<vmem>>, vector<16xf32>,
      %add3A_56 = arith.addf %add3A_49, %get3A_55 : vector<16xf32>
      %mul3A_57 = arith.constant 16 : i32
      %mul3A_58 = arith.muli %add3A_23, %mul3A_57 : i32
      %get3A_59 = arith.constant 5 : i32
      %get3A_60 = arith.index_cast %get3A_59 : i32 to index
      %get3A_61 = arith.index_cast %mul3A_58 : i32 to index
      %get3A_62 = tpu.vector_load %arg7[%get3A_60, %get3A_61] {strides = array<i32>} : memref<16x640xf32, #tpu.memory_space<vmem>>, vector<16xf32>,
      %add3A_63 = arith.addf %add3A_56, %get3A_62 : vector<16xf32>
      %mul3A_64 = arith.constant 16 : i32
      %mul3A_65 = arith.muli %add3A_23, %mul3A_64 : i32
      %get3A_66 = arith.constant 6 : i32
      %get3A_67 = arith.index_cast %get3A_66 : i32 to index
      %get3A_68 = arith.index_cast %mul3A_65 : i32 to index
      %get3A_69 = tpu.vector_load %arg7[%get3A_67, %get3A_68] {strides = array<i32>} : memref<16x640xf32, #tpu.memory_space<vmem>>, vector<16xf32>,
      %add3A_70 = arith.addf %add3A_63, %get3A_69 : vector<16xf32>
      %mul3A_71 = arith.constant 16 : i32
      %mul3A_72 = arith.muli %add3A_23, %mul3A_71 : i32
      %get3A_73 = arith.constant 7 : i32
      %get3A_74 = arith.index_cast %get3A_73 : i32 to index
      %get3A_75 = arith.index_cast %mul3A_72 : i32 to index
      %get3A_76 = tpu.vector_load %arg7[%get3A_74, %get3A_75] {strides = array<i32>} : memref<16x640xf32, #tpu.memory_space<vmem>>, vector<16xf32>,
      %add3A_77 = arith.addf %add3A_70, %get3A_76 : vector<16xf32>
      %mul3A_78 = arith.constant 16 : i32
      %mul3A_79 = arith.muli %add3A_23, %mul3A_78 : i32
      %get3A_80 = arith.constant 8 : i32
      %get3A_81 = arith.index_cast %get3A_80 : i32 to index
      %get3A_82 = arith.index_cast %mul3A_79 : i32 to index
      %get3A_83 = tpu.vector_load %arg7[%get3A_81, %get3A_82] {strides = array<i32>} : memref<16x640xf32, #tpu.memory_space<vmem>>, vector<16xf32>,
      %add3A_84 = arith.addf %add3A_77, %get3A_83 : vector<16xf32>
      %mul3A_85 = arith.constant 16 : i32
      %mul3A_86 = arith.muli %add3A_23, %mul3A_85 : i32
      %get3A_87 = arith.constant 9 : i32
      %get3A_88 = arith.index_cast %get3A_87 : i32 to index
      %get3A_89 = arith.index_cast %mul3A_86 : i32 to index
      %get3A_90 = tpu.vector_load %arg7[%get3A_88, %get3A_89] {strides = array<i32>} : memref<16x640xf32, #tpu.memory_space<vmem>>, vector<16xf32>,
      %add3A_91 = arith.addf %add3A_84, %get3A_90 : vector<16xf32>
      %mul3A_92 = arith.constant 16 : i32
      %mul3A_93 = arith.muli %add3A_23, %mul3A_92 : i32
      %get3A_94 = arith.constant 10 : i32
      %get3A_95 = arith.index_cast %get3A_94 : i32 to index
      %get3A_96 = arith.index_cast %mul3A_93 : i32 to index
      %get3A_97 = tpu.vector_load %arg7[%get3A_95, %get3A_96] {strides = array<i32>} : memref<16x640xf32, #tpu.memory_space<vmem>>, vector<16xf32>,
      %add3A_98 = arith.addf %add3A_91, %get3A_97 : vector<16xf32>
      %mul3A_99 = arith.constant 16 : i32
      %mul3A_100 = arith.muli %add3A_23, %mul3A_99 : i32
      %get3A_101 = arith.constant 11 : i32
      %get3A_102 = arith.index_cast %get3A_101 : i32 to index
      %get3A_103 = arith.index_cast %mul3A_100 : i32 to index
      %get3A_104 = tpu.vector_load %arg7[%get3A_102, %get3A_103] {strides = array<i32>} : memref<16x640xf32, #tpu.memory_space<vmem>>, vector<16xf32>,
      %add3A_105 = arith.addf %add3A_98, %get3A_104 : vector<16xf32>
      %mul3A_106 = arith.constant 16 : i32
      %mul3A_107 = arith.muli %add3A_23, %mul3A_106 : i32
      %get3A_108 = arith.constant 12 : i32
      %get3A_109 = arith.index_cast %get3A_108 : i32 to index
      %get3A_110 = arith.index_cast %mul3A_107 : i32 to index
      %get3A_111 = tpu.vector_load %arg7[%get3A_109, %get3A_110] {strides = array<i32>} : memref<16x640xf32, #tpu.memory_space<vmem>>, vector<16xf32>,
      %add3A_112 = arith.addf %add3A_105, %get3A_111 : vector<16xf32>
      %mul3A_113 = arith.constant 16 : i32
      %mul3A_114 = arith.muli %add3A_23, %mul3A_113 : i32
      %get3A_115 = arith.constant 13 : i32
      %get3A_116 = arith.index_cast %get3A_115 : i32 to index
      %get3A_117 = arith.index_cast %mul3A_114 : i32 to index
      %get3A_118 = tpu.vector_load %arg7[%get3A_116, %get3A_117] {strides = array<i32>} : memref<16x640xf32, #tpu.memory_space<vmem>>, vector<16xf32>,
      %add3A_119 = arith.addf %add3A_112, %get3A_118 : vector<16xf32>
      %mul3A_120 = arith.constant 16 : i32
      %mul3A_121 = arith.muli %add3A_23, %mul3A_120 : i32
      %get3A_122 = arith.constant 14 : i32
      %get3A_123 = arith.index_cast %get3A_122 : i32 to index
      %get3A_124 = arith.index_cast %mul3A_121 : i32 to index
      %get3A_125 = tpu.vector_load %arg7[%get3A_123, %get3A_124] {strides = array<i32>} : memref<16x640xf32, #tpu.memory_space<vmem>>, vector<16xf32>,
      %add3A_126 = arith.addf %add3A_119, %get3A_125 : vector<16xf32>
      %mul3A_127 = arith.constant 16 : i32
      %mul3A_128 = arith.muli %add3A_23, %mul3A_127 : i32
      %get3A_129 = arith.constant 15 : i32
      %get3A_130 = arith.index_cast %get3A_129 : i32 to index
      %get3A_131 = arith.index_cast %mul3A_128 : i32 to index
      %get3A_132 = tpu.vector_load %arg7[%get3A_130, %get3A_131] {strides = array<i32>} : memref<16x640xf32, #tpu.memory_space<vmem>>, vector<16xf32>,
      %add3A_133 = arith.addf %add3A_126, %get3A_132 : vector<16xf32>
      %mul3A_134 = arith.constant 16 : i32
      %mul3A_135 = arith.muli %add3A_23, %mul3A_134 : i32
      %swap3A = arith.index_cast %mul3A_135 : i32 to index
      %swap3A_136 = tpu.vector_load %arg8[%swap3A] {strides = array<i32>} : memref<640xf32, #tpu.memory_space<vmem>>, vector<16xf32>,
      tpu.vector_store %arg8[%swap3A], %add3A_133 {strides = array<i32>} : memref<640xf32, #tpu.memory_space<vmem>>, vector<16xf32>,
    }
    %scan3A_17 = arith.constant 40 : i32
    %mul3A_18 = arith.constant 640 : i32
    %mul3A_19 = arith.muli %arg1, %mul3A_18 : i32
    "tpu.region"() ({
      %run_scoped3A = tpu.sem_alloc : memref<!tpu.dma_semaphore, #tpu.memory_space<semaphore_mem>>
      %dma_start3A = arith.constant 0 : i32
      %dma_start3A_20 = tpu.memref_slice %arg3[%arg0, %dma_start3A] : memref<2x10240xf32, #tpu.memory_space<hbm>> -> memref<1x10240xf32, #tpu.memory_space<hbm>>
      %dma_start3A_21 = tpu.memref_squeeze %dma_start3A_20 : memref<1x10240xf32, #tpu.memory_space<hbm>> -> memref<10240xf32, #tpu.memory_space<hbm>>
      %dma_start3A_22 = tpu.memref_slice %dma_start3A_21[%mul3A_19] : memref<10240xf32, #tpu.memory_space<hbm>> -> memref<640xf32, #tpu.memory_space<hbm>>
      %dma_start3A_23 = arith.constant 0 : i32
      %dma_start3A_24 = tpu.memref_slice %arg3[%arg0, %dma_start3A_23] : memref<2x10240xf32, #tpu.memory_space<hbm>> -> memref<1x10240xf32, #tpu.memory_space<hbm>>
      %dma_start3A_25 = tpu.memref_squeeze %dma_start3A_24 : memref<1x10240xf32, #tpu.memory_space<hbm>> -> memref<10240xf32, #tpu.memory_space<hbm>>
      %dma_start3A_26 = tpu.memref_slice %dma_start3A_25[%mul3A_19] : memref<10240xf32, #tpu.memory_space<hbm>> -> memref<640xf32, #tpu.memory_space<hbm>>
      tpu.enqueue_dma source(%arg8 : memref<640xf32, #tpu.memory_space<vmem>>) target(%dma_start3A_26 : memref<640xf32, #tpu.memory_space<hbm>>) target_semaphore(%run_scoped3A : memref<!tpu.dma_semaphore, #tpu.memory_space<semaphore_mem>>)
      %dma_wait3A = arith.constant 0 : i32
      %dma_wait3A_27 = tpu.memref_slice %arg3[%arg0, %dma_wait3A] : memref<2x10240xf32, #tpu.memory_space<hbm>> -> memref<1x10240xf32, #tpu.memory_space<hbm>>
      %dma_wait3A_28 = tpu.memref_squeeze %dma_wait3A_27 : memref<1x10240xf32, #tpu.memory_space<hbm>> -> memref<10240xf32, #tpu.memory_space<hbm>>
      %dma_wait3A_29 = tpu.memref_slice %dma_wait3A_28[%mul3A_19] : memref<10240xf32, #tpu.memory_space<hbm>> -> memref<640xf32, #tpu.memory_space<hbm>>
      %dma_wait3A_30 = arith.constant 0 : i32
      %dma_wait3A_31 = tpu.memref_slice %arg3[%arg0, %dma_wait3A_30] : memref<2x10240xf32, #tpu.memory_space<hbm>> -> memref<1x10240xf32, #tpu.memory_space<hbm>>
      %dma_wait3A_32 = tpu.memref_squeeze %dma_wait3A_31 : memref<1x10240xf32, #tpu.memory_space<hbm>> -> memref<10240xf32, #tpu.memory_space<hbm>>
      %dma_wait3A_33 = tpu.memref_slice %dma_wait3A_32[%mul3A_19] : memref<10240xf32, #tpu.memory_space<hbm>> -> memref<640xf32, #tpu.memory_space<hbm>>
      tpu.wait_dma2 semaphore(%run_scoped3A : memref<!tpu.dma_semaphore, #tpu.memory_space<semaphore_mem>>) src(%arg8 : memref<640xf32, #tpu.memory_space<vmem>>) dst(%dma_wait3A_33 : memref<640xf32, #tpu.memory_space<hbm>>)
      tpu.yield
    }) : () -> ()
    return
  }
}

</mosaic_0001>

<sc_bundles>
// kernel: _degree_call.3.cloned.1.call-start
scs
__scs_entry_jumppad:
0x0: {  	(pc) =	sbr.rel $0x88, $3  }
0x1: {  	(tag) =	ssettag $0x0;
	lr =	simm.s32 $0x1  }
0x2: {  	[smem:$0x3FA0] =	sst lr;
	_ =	strace $0xD0000000  }
0x3: {  	_ = 	snop  }
0x4: {  	_ = 	snop  }
0x5: {  	_ = 	snop  }
0x6: {  	_ = 	snop  }
0x7: {  	_ = 	snop  }
__scs_overlays_trampoline_lowered:
0x8: {  	[smem:$0x3FAF] =	sst s0  }
0x9: {  	[smem:$0x3FB0] =	sst s1  }
0xa: {  	[smem:$0x3FB1] =	sst s2  }
0xb: {  	[smem:$0x3FB2] =	sst s3  }
0xc: {  	[smem:$0x3FB3] =	sst s4  }
0xd: {  	[smem:$0x3FB4] =	sst s5  }
0xe: {  	[smem:$0x3FB5] =	sst s6  }
0xf: {  	[smem:$0x3FB6] =	sst s7  }
0x10: {  	[smem:$0x3FB7] =	sst s8  }
0x11: {  	[smem:$0x3FB8] =	sst s9;
	s0 =	simm.s32 @!p0 $0x0  }
0x12: {  	s1 =	sld [smem:$0x3F9E];
	s0 =	simm.s32 @p0 $0x1  }
0x13: {  	[smem:$0x3FB9] =	sst s0;
	s0 =	simm.s32 @!p1 $0x0  }
0x14: {  	s2 =	sld [smem:$0x3F9D];
	s0 =	simm.s32 @p1 $0x1  }
0x15: {  	[smem:$0x3FBA] =	sst s0;
	s0 =	simm.s32 @!p2 $0x0  }
0x16: {  	s3 =	sld [smem:$0x3FDB];
	s0 =	simm.s32 @p2 $0x1  }
0x17: {  	s4 =	simm.s32 $0x1BF5;
	[smem:$0x3FBC] =	sst s0  }
0x18: {  	s0 =	sld [smem:$0x3F9F];
	_ =	swait.ge [sflag:s4], $0x0  }
0x19: {  	s7 =	sld [smem:$0x3FA0]  }
0x1a: {  	s8 =	sadd.s32 $0xFFFFE003, lr  }
0x1b: {  	s9 =	sadd.s32 $0xFFFFFEF7, lr;
	s5 =	simm.s32 $0xFFFFFFFF;
	p2 =	slt.u32 s8, $0xFFFFF086  }
0x1c: {  	p1 =	slt.u32 s9, $0xF7A;
	s5 =	simm.s32 @!p2 $0x0  }
0x1d: {  	s5 =	simm.s32 @p1 $0x1;
	p0 =	seq.s32 s7, s2  }
0x1e: {  	s7 =	smul.u32 @!p0 $0xF7A, s2;
	p2 =	seq.s32 @!p0 s5, $0x0  }
0x1f: {  	s9 =	smul.u32 $0xF7A, s1;
	s8 =	simm.s32 @!p0 $0x1BF5;
	p2 =	por !p2, p0  }
0x20: {  	[sflag:s8] =	ssyncset.s32 @!p0 $0xFFFFF086;
	s6 =	sadd.s32 @!p0 s3, s7;
	s7 =	simm.s32 @!p0 $0x108  }
0x21: {  	s3 =	sadd.s32 s3, s9;
	s6 =	sadd.s32 @!p0 $0x88, s6;
	s7 =	simm.s32 @p2 $0x1082  }
0x22: {  	[simem:s7], [sflag:s8] =	dma.local @!p0 [hbm:s6], $0xF7A  }
0x23: {  	s9 =	sor.u32 $0xD0000000, s2;
	s6 =	simm.s32 $0x108;
	_ =	swait.ge @!p0 [sflag:s8], $0x0  }
0x24: {  	s3 =	sadd.s32 $0x88, s3;
	s6 =	simm.s32 @!p1 $0x1082;
	[sflag:s4] =	ssyncset.s32 $0xFFFFF086  }
0x25: {  	[simem:s6], [sflag:s4] =	dma.local [hbm:s3], $0xF7A  }
0x26: {  	[smem:$0x3FA0] =	sst s1;
	(tag) =	ssettag s2;
	_ =	strace s9  }
0x27: {  	s1 =	sld [smem:$0x3FB0]  }
0x28: {  	s2 =	sld [smem:$0x3FB1]  }
0x29: {  	s4 =	sld [smem:$0x3FB3]  }
0x2a: {  	p0 =	seq.s32 s5, $0x0;
	s5 =	sld [smem:$0x3FB4]  }
0x2b: {  	s6 =	sld [smem:$0x3FB5]  }
0x2c: {  	s7 =	sld [smem:$0x3FB6]  }
0x2d: {  	s3 =	simm.s32 $0x108;
	s8 =	sld [smem:$0x3FB7]  }
0x2e: {  	s3 =	simm.s32 @!p0 $0x1082;
	s9 =	sld [smem:$0x3FB8]  }
0x2f: {  	lr =	sadd.s32 s0, s3;
	s0 =	sld [smem:$0x3FAF]  }
0x30: {  	s3 =	sld [smem:$0x3FB2]  }
0x31: {  	[smem:$0x3FBB] =	sst s10  }
0x32: {  	s10 =	sld [smem:$0x3FB9];
	_ =	sdelay $0x3  }
0x33: {  	p0 =	seq.s32 s10, $0x1;
	s10 =	sld [smem:$0x3FBB];
	_ =	sdelay $0x3  }
0x34: {  	[smem:$0x3FBB] =	sst s10  }
0x35: {  	s10 =	sld [smem:$0x3FBA];
	_ =	sdelay $0x3  }
0x36: {  	p1 =	seq.s32 s10, $0x1;
	s10 =	sld [smem:$0x3FBB];
	_ =	sdelay $0x3  }
0x37: {  	[smem:$0x3FBB] =	sst s10  }
0x38: {  	s10 =	sld [smem:$0x3FBC]  }
0x39: {  	_ = 	snop;
	(pc) =	sbr.ind lr, $3  }
0x3a: {  	_ = 	snop  }
0x3b: {  	_ = 	snop  }
0x3c: {  	p2 =	seq.s32 s10, $0x1;
	s10 =	sld [smem:$0x3FBB]  }
0x3d: {  	_ =	shalt  }
0x3e: {  	_ =	shalt  }
0x3f: {  	_ =	shalt  }
0x40: {  	_ =	shalt  }
0x41: {  	_ =	shalt  }
0x42: {  	_ =	shalt  }
0x43: {  	_ =	shalt  }
0x44: {  	_ =	shalt  }
0x45: {  	_ =	shalt  }
0x46: {  	_ =	shalt  }
0x47: {  	_ =	shalt  }
0x48: {  	_ =	shalt  }
0x49: {  	_ =	shalt  }
0x4a: {  	_ =	shalt  }
0x4b: {  	_ =	shalt  }
0x4c: {  	_ =	shalt  }
0x4d: {  	_ =	shalt  }
0x4e: {  	_ =	shalt  }
0x4f: {  	_ =	shalt  }
0x50: {  	_ =	shalt  }
0x51: {  	_ =	shalt  }
0x52: {  	_ =	shalt  }
0x53: {  	_ =	shalt  }
0x54: {  	_ =	shalt  }
0x55: {  	_ =	shalt  }
0x56: {  	_ =	shalt  }
0x57: {  	_ =	shalt  }
0x58: {  	_ =	shalt  }
0x59: {  	_ =	shalt  }
0x5a: {  	_ =	shalt  }
0x5b: {  	_ =	shalt  }
0x5c: {  	_ =	shalt  }
0x5d: {  	_ =	shalt  }
0x5e: {  	_ =	shalt  }
0x5f: {  	_ =	shalt  }
0x60: {  	_ =	shalt  }
0x61: {  	_ =	shalt  }
0x62: {  	_ =	shalt  }
0x63: {  	_ =	shalt  }
0x64: {  	_ =	shalt  }
0x65: {  	_ =	shalt  }
0x66: {  	_ =	shalt  }
0x67: {  	_ =	shalt  }
0x68: {  	_ =	shalt  }
0x69: {  	_ =	shalt  }
0x6a: {  	_ =	shalt  }
0x6b: {  	_ =	shalt  }
0x6c: {  	_ =	shalt  }
0x6d: {  	_ =	shalt  }
0x6e: {  	_ =	shalt  }
0x6f: {  	_ =	shalt  }
0x70: {  	_ =	shalt  }
0x71: {  	_ =	shalt  }
0x72: {  	_ =	shalt  }
0x73: {  	_ =	shalt  }
0x74: {  	_ =	shalt  }
0x75: {  	_ =	shalt  }
0x76: {  	_ =	shalt  }
0x77: {  	_ =	shalt  }
0x78: {  	_ =	shalt  }
0x79: {  	_ =	shalt  }
0x7a: {  	_ =	shalt  }
0x7b: {  	_ =	shalt  }
0x7c: {  	_ =	shalt  }
0x7d: {  	_ =	shalt  }
0x7e: {  	_ =	shalt  }
0x7f: {  	_ =	shalt  }
0x80: {  	_ =	shalt  }
0x81: {  	_ =	shalt  }
0x82: {  	_ =	shalt  }
0x83: {  	_ =	shalt  }
0x84: {  	_ =	shalt  }
0x85: {  	_ =	shalt  }
0x86: {  	_ =	shalt  }
0x87: {  	_ =	shalt  }
.Lfunc_end0:
.L_simem_size_0:
called_computation_lowered:
.L_overlay_start_0:
0x88: {  	s2 =	sld [smem:$0x3FD9]  }
0x89: {  	s3 =	sld [smem:$0x3FFE];
	_ =	sdelay $0x1  }
0x8a: {  	s1 =	srdreg.scid  }
0x8b: {  	s0 =	sand.u32 $0x1, s1  }
0x8c: {  	s18 =	sshll.u32 s0, $0xA;
	s2 =	sadd.s32 s3, s2  }
0x8d: {  	s2 =	sadd.s32 s2, s18  }
0x8e: {  	[smem:$0x3FC7] =	sst s2  }
0x8f: {  	_ = 	snop  }
0x90: {  	s2 =	sld [smem:$0x3FC9]  }
0x91: {  	s19 =	sld [smem:$0x3FD0];
	(tm) =	ssettm $0x1  }
0x92: {  	s4 =	sld [smem:$0x3FFB];
	_ =	sdelay $0x3  }
0x93: {  	_ =	strace s4  }
0x94: {  	s4 =	sld [smem:$0x3FFC];
	_ =	sdelay $0x3  }
0x95: {  	_ =	strace s4  }
0x96: {  	s4 =	sld [smem:$0x3FFD];
	_ =	sdelay $0x3  }
0x97: {  	_ =	strace s4  }
0x98: {  	_ =	strace $0x8FFFFFFF  }
0x99: {  	s20 =	sld [smem:$0x3FDB];
	_ =	sdelay $0x1  }
0x9a: {  	s5 =	simm.s32 $_scs_section_size  }
0x9b: {  	s6 =	simm.s32 $_size__tile_overlayer_lowered;
	s7 =	simm.s32 $_tile_overlayer_lowered  }
0x9c: {  	s23 =	simm.s32 $0x1BFF;
	s22 =	sshll.u32 s7, $0x1;
	s4 =	sadd.s32 s5, s20  }
0x9d: {  	s8 =	simm.s32 $0x0;
	s21 =	sshll.u32 s6, $0x1;
	s6 =	sadd.s32 s22, s4  }
0x9e: {  	[timem:s8], [sflag:s23] =	dma.local [hbm:s6], s21  }
0x9f: {  	_ =	swait.ge [sflag:s23], s21  }
0xa0: {  	s5 =	ssub.s32 $0x0, s21;
	[sflag:s23] =	ssyncset.done $0x0  }
0xa1: {  	[sflag:s23] =	ssyncadd.s32 s5;
	_ =	sdelay $0x1  }
0xa2: {  	s24 =	simm.s32 $0x1B8B  }
0xa3: {  	_ =	swait.ge [sflag:s24], $0x1  }
0xa4: {  	[sflag:s24] =	ssyncset.done $0x0  }
0xa5: {  	s25 =	simm.s32 $0x1B8E;
	[sflag:s24] =	ssyncadd.s32 $0xFFFFFFFF  }
0xa6: {  	s26 =	simm.s32 $execute0_lowered;
	[smem:$0x3FD2] =	sst s25  }
0xa7: {  	s5 =	sshll.u32 s26, $0x1;
	_ =	strace $0x80000046;
	[dreg:$0x1] =	wrdreg $0xFFFFFFFF  }
0xa8: {  	s28 =	simm.s32 $_size_execute0_lowered;
	s4 =	sadd.s32 s4, s5;
	[dreg:$0x0] =	wrdreg $0x0  }
0xa9: {  	s5 =	sshll.u32 s28, $0x1;
	[dreg:$0x2] =	wrdreg s4  }
0xaa: {  	[dreg:$0x3] =	wrdreg s5  }
0xab: {  	[dreg:$0x4] =	wrdreg $0xC0  }
0xac: {  	_ =	task [dreg:s8], $0x5FFFF  }
0xad: {  	[dreg:$0x1] =	wrdreg $0xFFFFFFFF  }
0xae: {  	[dreg:$0x0] =	wrdreg $0x60  }
0xaf: {  	[dreg:$0x2] =	wrdreg s2  }
0xb0: {  	[dreg:$0x3] =	wrdreg s19  }
0xb1: {  	[dreg:$0x4] =	wrdreg $0x50000  }
0xb2: {  	[dreg:$0x5] =	wrdreg $0x9  }
0xb3: {  	_ =	task.clear_ibuf [dreg:s8], $0x6FFFF;
	_ =	strace $0x90000046  }
0xb4: {  	s29 =	simm.s32 $0x9;
	_ =	strace $0x80000048  }
0xb5: {  	_ =	swait.ge [sflag:s29], $0x1  }
0xb6: {  	[sflag:s29] =	ssyncadd.s32 $0xFFFFFFFF  }
0xb7: {  	_ =	strace $0x90000048  }
0xb8: {  	_ =	sfence  }
0xb9: {  	s30 =	sld [smem:$0x0];
	_ =	sdelay $0x2  }
0xba: {  	s31 =	sshll.u32 s1, $0xD;
	s1 =	sshrl.u32 s1, $0x2  }
0xbb: {  	s3 =	sand.u32 $0x4000, s31;
	s1 =	sadd.s32 s1, s30  }
0xbc: {  	s0 =	sor.u32 s3, s0;
	s1 =	sshll.u32 s1, $0x11  }
0xbd: {  	s0 =	sor.u32 s1, s0  }
0xbe: {  	s0 =	sadd.s32 $0x8F2B, s0  }
0xbf: {  	[sflag:s0] =	ssyncadd.remote.s32 $0x1  }
0xc0: {  	_ =	sfence.sel $0xFFFF  }
0xc1: {  	[dreg:$0x0] =	wrdreg $0xFFFFFFFF;
	(pc) =	sbr.abs _section_cstart, $3  }
0xc2: {  	[dreg:$0x1] =	wrdreg $0xFFFFFFFF  }
0xc3: {  	_ =	task.clear_ibuf [dreg:s8], $0x2FFFF;
	_ =	strace $0x9FFFFFFF  }
0xc4: {  	(tm) =	ssettm $0x7FFFFFFF  }
0xc5: {  	_ =	shalt  }
tec
execute0_lowered:
.L_overlay_start_1:
0x0: {  	(tag) =	ssettag $0x1  }
0x1: {  	s3 =	rddreg [dreg:$0x0]  }
0x2: {  	s0 =	stileid.u32;
	s6 =	rddreg [dreg:$0x1]  }
0x3: {  	s1 =	srdreg.scid;
	s7 =	rddreg [dreg:$0x2];
	s13 =	simm.s32 $0x7800  }
0x4: {  	s16 =	simm.s32 $0xA000;
	s17 =	simm.s32 $0x0;
	s12 =	smul.u32 $0x5000, s0  }
0x5: {  	s2 =	sshrl.u32 s0, $0x3;
	s5 =	sand.u32 $0x1, s1;
	s15 =	smul.u32 $0xA0, s0  }
0x6: {  	s1 =	rddreg [dreg:$0x3];
	s9 =	sshll.u32 s0, $0x7;
	s4 =	smul.u32 $0x14000, s2  }
0x7: {  	s8 =	smul.u32 $0x28000, s5;
	s2 =	simm.s32 $0x0;
	s9 =	sand.u32 $0x380, s9  }
0x8: {  	s10 =	ssub.s32 $0x2, s5;
	s31 =	sshll.u32 s5, $0x4;
	[smem:$0x7FF] =	sst s2  }
0x9: {  	s11 =	sshrl.u32 s10, $0x1;
	s30 =	sshrl.u32 s12, $0x2;
	s14 =	sadd.s32 s6, s31  }
0xa: {  	s12 =	simm.s32 $0x14000;
	s8 =	sadd.s32 s8, s4;
	_ =	strace $0x80000047  }
0xb: {  	s10 =	ssub.s32 s10, s11;
	s4 =	sadd.s32 s4, s7;
	s5 =	sadd.s32 s30, s7  }
0xc: {  	s7 =	simm.s32 $0x80;
	s11 =	simm.s32 $0x1400;
	s14 =	sadd.s32 s15, s14  }
0xd: {  	s15 =	simm.s32 $0x100;
	s8 =	sor.u32 s9, s8;
	s4 =	sadd.s32 s9, s4  }
0xe: {  	s6 =	smax.u32 s10, $0x1;
	s9 =	simm.s32 $0x1;
	s8 =	sshrl.u32 s8, $0x3  }
0xf: {  	v0 =	vimm.f32 $0.0e+00;
	v1 =	vimm.f32 $1.000000000e+00;
	s10 =	simm.s32 $0x2800;
	s3 =	sadd.s32 s3, s8;
	s8 =	simm.s32 $0x400  }
.LBB2_1:
0x10: {  	[tilespmem:s2], [sflag:$0x1] =	stream.strided.gather [hbm4b:s3+s7], $0x2800, s8, s7, $0x38;
	[tilespmem:$0xA280] =	vst v63  }
0x11: {  	_ =	swait.ge [sflag:s9], $0x2800  }
0x12: {  	[sflag:s9] =	ssyncset.done $0x0  }
0x13: {  	s18 =	simm.s32 $0x0;
	[sflag:s9] =	ssyncadd.s32 $0xFFFFD800  }
.LBB2_2:
0x14: {  	p0 =	sne.s32 s18, $0x9FC0  }
.Ltmp0:
0x15: {  	_ = 	snop;
	(pc) =	sbr.rel @p0 .LBB2_2-.Ltmp0, $3  }
0x16: {  	_ =	sdelay $0x1  }
0x17: {  	s19 =	sshra.s32 s18, $0x2  }
0x18: {  	s18 =	sadd.s32 $0x40, s18;
	[tilespmem:s19+$0x2800] =	vst v0  }
0x19: {  	s19 =	simm.s32 $0x0;
	s18 =	simm.s32 $0x40  }
.LBB2_4:
0x1a: {  	p0 =	sne.s32 s18, $0x9FC0;
	v2 =	vld [tilespmem:s19+$0x0];
	_ =	sdelay $0x3  }
.Ltmp1:
0x1b: {  	(pc) =	sbr.rel @p0 .LBB2_4-.Ltmp1, $2  }
0x1c: {  	_ =	sdelay $0x2  }
0x1d: {  	s19 =	sshra.s32 s18, $0x2;
	s18 =	sadd.s32 $0x40, s18;
	[tilespmem:v2+s10+$0x0] =	vst.idx.add.f32.msk $0xffff, v1  }
0x1e: {  	v2 =	vld [tilespmem:s19+$0x0];
	_ =	sdelay $0x7  }
0x1f: {  	[tilespmem:v2+s10+$0x0] =	vst.idx.add.f32.msk $0xffff, v1  }
0x20: {  	[spmem:s4] =	stream.strided.scatter [tilespmem:s10], [sflag:$0x1], $0x2800, s8, s7, $0x38;
	[tilespmem:$0xA280] =	vst v63  }
0x21: {  	_ =	swait.ge [sflag:s9], $0x2800  }
0x22: {  	[sflag:s9] =	ssyncset.done $0x0  }
0x23: {  	[sflag:s9] =	ssyncadd.s32 $0xFFFFD800  }
0x24: {  	[bflag:$0x0] =	sbarrier.arrive $0xFFFF  }
0x25: {  	[tilespmem:s13], [sflag:$0x1] =	stream.strided.gather [spmem:s5], $0x2800, s12, s11, $0x38;
	[tilespmem:$0xA280] =	vst v63  }
0x26: {  	s18 =	simm.s32 $0x0;
	_ =	swait.ge [sflag:s9], $0x2800  }
0x27: {  	s30 =	sand.u32 $0x70, s18;
	s18 =	sand.u32 $0x1C00, s18;
	[sflag:s9] =	ssyncset.done $0x0  }
0x28: {  	s18 =	sor.u32 s30, s18;
	[sflag:s9] =	ssyncadd.s32 $0xFFFFD800  }
0x29: {  	v2 =	vld [tilespmem:s18+$0x7880]  }
0x2a: {  	v3 =	vld [tilespmem:s18+$0x7800];
	_ =	sdelay $0x1  }
0x2b: {  	v4 =	vld [tilespmem:s18+$0x7900];
	_ =	sdelay $0x1  }
0x2c: {  	v5 =	vld [tilespmem:s18+$0x7980]  }
0x2d: {  	v2 =	vadd.f32 v2, v3  }
0x2e: {  	v3 =	vld [tilespmem:s18+$0x7A00]  }
0x2f: {  	v2 =	vadd.f32 v4, v2  }
0x30: {  	v56 =	vld [tilespmem:s18+$0x7A80]  }
0x31: {  	v2 =	vadd.f32 v5, v2  }
0x32: {  	v57 =	vld [tilespmem:s18+$0x7B00]  }
0x33: {  	v2 =	vadd.f32 v3, v2  }
0x34: {  	v3 =	vld [tilespmem:s18+$0x7B80]  }
0x35: {  	v2 =	vadd.f32 v56, v2  }
0x36: {  	v58 =	vld [tilespmem:s18+$0x8C00]  }
0x37: {  	v2 =	vadd.f32 v57, v2  }
0x38: {  	v59 =	vld [tilespmem:s18+$0x8C80]  }
0x39: {  	v2 =	vadd.f32 v3, v2  }
0x3a: {  	v3 =	vld [tilespmem:s18+$0x8D00]  }
0x3b: {  	v2 =	vadd.f32 v58, v2  }
0x3c: {  	v60 =	vld [tilespmem:s18+$0x8D80]  }
0x3d: {  	v2 =	vadd.f32 v59, v2  }
0x3e: {  	v61 =	vld [tilespmem:s18+$0x8E00]  }
0x3f: {  	v2 =	vadd.f32 v3, v2  }
0x40: {  	v3 =	vld [tilespmem:s18+$0x8E80]  }
0x41: {  	v2 =	vadd.f32 v60, v2  }
0x42: {  	v62 =	vld [tilespmem:s18+$0x8F00]  }
0x43: {  	v2 =	vadd.f32 v61, v2  }
0x44: {  	v63 =	vld [tilespmem:s18+$0x8F80]  }
0x45: {  	v2 =	vadd.f32 v3, v2;
	_ =	sdelay $0x1  }
0x46: {  	v2 =	vadd.f32 v62, v2;
	_ =	sdelay $0x1  }
0x47: {  	s31 =	simm.s32 $0x10;
	s20 =	simm.s32 $0x80;
	v2 =	vadd.f32 v63, v2  }
0x48: {  	s19 =	sand.u32 $0x70, s31;
	s21 =	sand.u32 $0x1C00, s20;
	s18 =	simm.s32 $0xA000  }
0x49: {  	s19 =	sor.u32 s19, s21;
	s21 =	simm.s32 $0x20;
	[tilespmem:s18+$0x0] =	vst v2  }
.LBB2_6:
0x4a: {  	p0 =	sne.s32 s21, $0x270;
	v2 =	vld [tilespmem:s19+$0x7880]  }
0x4b: {  	v3 =	vld [tilespmem:s19+$0x7800];
	_ =	sdelay $0x1  }
0x4c: {  	v4 =	vld [tilespmem:s19+$0x7900];
	_ =	sdelay $0x1  }
0x4d: {  	v5 =	vld [tilespmem:s19+$0x7980]  }
0x4e: {  	v2 =	vadd.f32 v2, v3  }
0x4f: {  	v3 =	vld [tilespmem:s19+$0x7A00]  }
0x50: {  	v2 =	vadd.f32 v4, v2  }
0x51: {  	v4 =	vld [tilespmem:s19+$0x7A80]  }
0x52: {  	v2 =	vadd.f32 v5, v2  }
0x53: {  	v5 =	vld [tilespmem:s19+$0x7B00]  }
0x54: {  	v2 =	vadd.f32 v3, v2  }
0x55: {  	v3 =	vld [tilespmem:s19+$0x7B80]  }
0x56: {  	v2 =	vadd.f32 v4, v2  }
0x57: {  	v4 =	vld [tilespmem:s19+$0x8C00]  }
0x58: {  	v2 =	vadd.f32 v5, v2  }
0x59: {  	v5 =	vld [tilespmem:s19+$0x8C80]  }
0x5a: {  	v2 =	vadd.f32 v3, v2  }
0x5b: {  	v3 =	vld [tilespmem:s19+$0x8D00]  }
0x5c: {  	v2 =	vadd.f32 v4, v2  }
0x5d: {  	v4 =	vld [tilespmem:s19+$0x8D80]  }
0x5e: {  	v2 =	vadd.f32 v5, v2  }
0x5f: {  	v5 =	vld [tilespmem:s19+$0x8E00]  }
0x60: {  	v2 =	vadd.f32 v3, v2  }
0x61: {  	v3 =	vld [tilespmem:s19+$0x8E80]  }
0x62: {  	v2 =	vadd.f32 v4, v2  }
0x63: {  	v4 =	vld [tilespmem:s19+$0x8F00]  }
0x64: {  	v2 =	vadd.f32 v5, v2  }
0x65: {  	v5 =	vld [tilespmem:s19+$0x8F80]  }
0x66: {  	v2 =	vadd.f32 v3, v2;
	_ =	sdelay $0x1  }
.Ltmp2:
0x67: {  	v2 =	vadd.f32 v4, v2;
	(pc) =	sbr.rel @p0 .LBB2_6-.Ltmp2, $4  }
0x68: {  	_ = 	snop  }
0x69: {  	s20 =	sadd.s32 $0x80, s20;
	v2 =	vadd.f32 v5, v2  }
0x6a: {  	s18 =	sadd.s32 $0x10, s18;
	s22 =	sand.u32 $0x1C00, s20;
	s19 =	sand.u32 $0x70, s21  }
0x6b: {  	s21 =	sadd.s32 $0x10, s21;
	s19 =	sor.u32 s19, s22;
	[tilespmem:s18+$0x0] =	vst v2  }
0x6c: {  	v2 =	vld [tilespmem:s19+$0x7880]  }
0x6d: {  	v3 =	vld [tilespmem:s19+$0x7800];
	_ =	sdelay $0x1  }
0x6e: {  	v4 =	vld [tilespmem:s19+$0x7900];
	_ =	sdelay $0x1  }
0x6f: {  	v5 =	vld [tilespmem:s19+$0x7980]  }
0x70: {  	v2 =	vadd.f32 v2, v3  }
0x71: {  	v3 =	vld [tilespmem:s19+$0x7A00]  }
0x72: {  	v2 =	vadd.f32 v4, v2  }
0x73: {  	v56 =	vld [tilespmem:s19+$0x7A80]  }
0x74: {  	v2 =	vadd.f32 v5, v2  }
0x75: {  	v57 =	vld [tilespmem:s19+$0x7B00]  }
0x76: {  	v2 =	vadd.f32 v3, v2  }
0x77: {  	v3 =	vld [tilespmem:s19+$0x7B80]  }
0x78: {  	v2 =	vadd.f32 v56, v2  }
0x79: {  	v58 =	vld [tilespmem:s19+$0x8C00]  }
0x7a: {  	v2 =	vadd.f32 v57, v2  }
0x7b: {  	v59 =	vld [tilespmem:s19+$0x8C80]  }
0x7c: {  	v2 =	vadd.f32 v3, v2  }
0x7d: {  	v3 =	vld [tilespmem:s19+$0x8D00]  }
0x7e: {  	v2 =	vadd.f32 v58, v2  }
0x7f: {  	v60 =	vld [tilespmem:s19+$0x8D80]  }
0x80: {  	v2 =	vadd.f32 v59, v2  }
0x81: {  	v61 =	vld [tilespmem:s19+$0x8E00]  }
0x82: {  	v2 =	vadd.f32 v3, v2  }
0x83: {  	v3 =	vld [tilespmem:s19+$0x8E80]  }
0x84: {  	v2 =	vadd.f32 v60, v2  }
0x85: {  	v62 =	vld [tilespmem:s19+$0x8F00]  }
0x86: {  	v2 =	vadd.f32 v61, v2  }
0x87: {  	v63 =	vld [tilespmem:s19+$0x8F80]  }
0x88: {  	v2 =	vadd.f32 v3, v2;
	_ =	sdelay $0x1  }
0x89: {  	v2 =	vadd.f32 v62, v2;
	_ =	sdelay $0x1  }
0x8a: {  	s17 =	sadd.s32 $0x1, s17;
	v2 =	vadd.f32 v63, v2  }
0x8b: {  	s18 =	sadd.s32 $0x10, s18;
	p0 =	sne.s32 s17, s6  }
.Ltmp3:
0x8c: {  	[tilespmem:s18+$0x0] =	vst v2;
	(pc) =	sbr.rel @p0 .LBB2_1-.Ltmp3, $4  }
0x8d: {  	[hbm4b:s14+s7] =	stream.strided.scatter [tilespmem:s16], [sflag:$0x1], $0x280, s15, s7, $0x38;
	[tilespmem:$0xA280] =	vst v63  }
0x8e: {  	_ =	swait.ge [sflag:s9], $0x280  }
0x8f: {  	[sflag:s9] =	ssyncset.done $0x0  }
0x90: {  	[sflag:s9] =	ssyncadd.s32 $0xFFFFFD80  }
0x91: {  	_ =	sfence.sel $0x180000  }
0x92: {  	[bflag:$0x0] =	sbarrier.arrive $0xFFFF  }
0x93: {  	p0 =	sne.s32 s0, $0x0;
	_ =	strace $0x90000047  }
0x94: {  	s0 =	sadd.s32 @!p0 $0x100000, s1;
	[bflag:$0x2] =	sbarrier.arrive $0xFFFF  }
0x95: {  	[sflag:s0] =	ssyncadd.tile.s32 @!p0 $0x1;
	_ =	shalt  }
.Lfunc_end2:
_tile_overlayer_lowered:
.L_overlay_start_2:
0x96: {  	(tag) =	ssettag $0x2  }
0x97: {  	s0 =	rddreg [dreg:$0x0];
	s2 =	stileid.u32  }
0x98: {  	s1 =	rddreg [dreg:$0x1];
	p0 =	sne.s32 s2, $0x0  }
0x99: {  	s3 =	rddreg [dreg:$0x2];
	[bflag:$0x3] =	sbarrier.arrive $0xFFFF;
	s2 =	simm.s32 @!p0 $0x1C01  }
0x9a: {  	[timem:s3], [sflag:s2] =	dma.local @!p0 [hbm:s0], s1  }
0x9b: {  	s0 =	simm.s32 @!p0 $0x1  }
0x9c: {  	_ =	swait.ge @!p0 [sflag:s0], s1  }
0x9d: {  	s1 =	ssub.s32 @!p0 $0x0, s1;
	[sflag:s0] =	ssyncset.done @!p0 $0x0  }
0x9e: {  	[sflag:s0] =	ssyncadd.s32 @!p0 s1  }
0x9f: {  	[bflag:$0x3] =	sbarrier.arrive $0xFFFF  }
0xa0: {  	_ =	shalt  }

</sc_bundles>
